<compile_context>
chip_gen: v7x
topology: tpu7x:2x2x1
jax: 0.10.2.dev20260603
libtpu: 0.0.44.dev20260713+nightly
codegen_flags: <defaults>
</compile_context>

<pallas_src>
import functools

import jax
import jax.numpy as jnp
from jax import lax
from jax.experimental import pallas as pl
from jax.experimental.pallas import tpu as pltpu
from jax.experimental.pallas import tpu_sc as plsc

B = 4096
F = 13
NF = 26
V = 100000
D = 32
H1 = 512
H2 = 256
MLP_IN = D + NF * D

_NC = 2
_NS = 16
_NW = _NC * _NS

_COLS_PER_W = NF * D // _NW


def _sc_gather(tables_c, idx_fm):
    mesh = plsc.VectorSubcoreMesh(core_axis_name="c", subcore_axis_name="s")

    @functools.partial(
        pl.kernel,
        mesh=mesh,
        compiler_params=pltpu.CompilerParams(needs_layout_passes=False),
        out_type=jax.ShapeDtypeStruct((NF * D, B), jnp.float32),
        scratch_types=[
            pltpu.VMEM((V,), jnp.float32),
            pltpu.VMEM((B,), jnp.int32),
            pltpu.VMEM((B,), jnp.float32),
        ],
    )
    def k(table_hbm, idx_hbm, out_hbm, col_v, idx_v, res_v):
        wid = lax.axis_index("s") * _NC + lax.axis_index("c")
        c0 = wid * _COLS_PER_W

        @pl.loop(0, _COLS_PER_W)
        def _(j):
            c = c0 + j
            f = c // D
            d = c - f * D

            @pl.when(jnp.logical_or(j == 0, d == 0))
            def _():
                pltpu.sync_copy(idx_hbm.at[f], idx_v)

            pltpu.sync_copy(table_hbm.at[f, d], col_v)

            @pl.loop(0, B // 64)
            def _(b):
                for u in range(4):
                    o = b * 64 + u * 16
                    idx16 = idx_v[pl.ds(o, 16)]
                    res_v[pl.ds(o, 16)] = plsc.load_gather(col_v, [idx16])

            pltpu.sync_copy(res_v, out_hbm.at[c])

    return k(tables_c, idx_fm)


def _mlp_body(cont_ref, embT_ref, Wc_ref, bc_ref, W1c_ref, W1e_ref, b1_ref,
              W2_ref, b2_ref, Wo_ref, bo_ref, out_ref):
    xc = jnp.dot(cont_ref[...], Wc_ref[...],
                 preferred_element_type=jnp.float32) + bc_ref[...]
    x1 = jnp.dot(xc, W1c_ref[...], preferred_element_type=jnp.float32)
    xe = lax.dot_general(embT_ref[...], W1e_ref[...],
                         (((0,), (0,)), ((), ())),
                         preferred_element_type=jnp.float32)
    h1 = jnp.maximum(x1 + xe + b1_ref[...], 0.0)
    h2 = jnp.maximum(
        jnp.dot(h1, W2_ref[...], preferred_element_type=jnp.float32)
        + b2_ref[...], 0.0)
    o = jnp.dot(h2, Wo_ref[...], preferred_element_type=jnp.float32) + bo_ref[...]
    out_ref[...] = jax.nn.sigmoid(o)


def _tc_mlp(cont, embT, Wc, bc, W1c, W1e, b1, W2, b2, Wo, bo):
    blk = 512
    grid = (B // blk,)
    return pl.pallas_call(
        _mlp_body,
        grid=grid,
        in_specs=[
            pl.BlockSpec((blk, F), lambda i: (i, 0)),
            pl.BlockSpec((NF * D, blk), lambda i: (0, i)),
            pl.BlockSpec((F, D), lambda i: (0, 0)),
            pl.BlockSpec((1, D), lambda i: (0, 0)),
            pl.BlockSpec((D, H1), lambda i: (0, 0)),
            pl.BlockSpec((NF * D, H1), lambda i: (0, 0)),
            pl.BlockSpec((1, H1), lambda i: (0, 0)),
            pl.BlockSpec((H1, H2), lambda i: (0, 0)),
            pl.BlockSpec((1, H2), lambda i: (0, 0)),
            pl.BlockSpec((H2, 1), lambda i: (0, 0)),
            pl.BlockSpec((1, 1), lambda i: (0, 0)),
        ],
        out_specs=pl.BlockSpec((blk, 1), lambda i: (i, 0)),
        out_shape=jax.ShapeDtypeStruct((B, 1), jnp.float32),
    )(cont, embT, Wc, bc, W1c, W1e, b1, W2, b2, Wo, bo)


def kernel(continuous_features, categorical_features, tables, Wc, bc, W1, b1,
           W2, b2, Wo, bo):
    idx_fm = categorical_features.astype(jnp.int32).T
    tables_c = tables.transpose(0, 2, 1)
    embT = _sc_gather(tables_c, idx_fm)
    return _tc_mlp(continuous_features, embT,
                   Wc, bc.reshape(1, D),
                   W1[:D], W1[D:], b1.reshape(1, H1),
                   W2, b2.reshape(1, H2),
                   Wo, bo.reshape(1, 1))

# --- scband reference (transcript-rebuilt; emitter-appended) ---
"""Pipeline reference for scband-dlrmmodel-26800595927433 (READ-ONLY COPY).

The authoritative reference and input builder live on the scoring server;
editing this copy changes nothing except your own understanding.
"""

import jax, jax.numpy as jnp
import numpy as np

B = 4096
F = 13
NF = 26
V = 100000
D = 32
H1 = 512
H2 = 256
MLP_IN = D + NF * D


def setup_inputs(seed: int = 0) -> dict:
    key = jax.random.key(seed)
    ks = jax.random.split(key, 12)
    continuous_features = jax.random.normal(ks[0], (B, F), dtype=jnp.float32)
    categorical_features = jax.random.randint(ks[1], (B, NF), 0, V, dtype=jnp.int64 if jax.config.jax_enable_x64 else jnp.int32)
    tables = jax.random.normal(ks[2], (NF, V, D), dtype=jnp.float32) * 0.01
    Wc = jax.random.normal(ks[3], (F, D), dtype=jnp.float32) * 0.05
    bc = jnp.zeros((D,), dtype=jnp.float32)
    W1 = jax.random.normal(ks[4], (MLP_IN, H1), dtype=jnp.float32) * (1.0 / np.sqrt(MLP_IN))
    b1 = jnp.zeros((H1,), dtype=jnp.float32)
    W2 = jax.random.normal(ks[5], (H1, H2), dtype=jnp.float32) * (1.0 / np.sqrt(H1))
    b2 = jnp.zeros((H2,), dtype=jnp.float32)
    Wo = jax.random.normal(ks[6], (H2, 1), dtype=jnp.float32) * (1.0 / np.sqrt(H2))
    bo = jnp.zeros((1,), dtype=jnp.float32)
    return {
        'continuous_features': continuous_features,
        'categorical_features': categorical_features,
        'tables': tables,
        'Wc': Wc, 'bc': bc,
        'W1': W1, 'b1': b1,
        'W2': W2, 'b2': b2,
        'Wo': Wo, 'bo': bo,
    }


def reference(continuous_features, categorical_features, tables, Wc, bc, W1, b1, W2, b2, Wo, bo):
    # dense bottom layer
    x = continuous_features @ Wc + bc
    # per-field embedding lookups: tables[i][categorical_features[:, i]]
    emb = jax.vmap(lambda t, idx: jnp.take(t, idx, axis=0), in_axes=(0, 1), out_axes=1)(tables, categorical_features)
    emb = emb.reshape(emb.shape[0], NF * D)
    # concat dense projection with embeddings
    x = jnp.concatenate([x, emb], axis=1)
    # MLP
    x = jax.nn.relu(x @ W1 + b1)
    x = jax.nn.relu(x @ W2 + b2)
    # output head + sigmoid
    return jax.nn.sigmoid(x @ Wo + bo)

if __name__ == "__main__":
    import jax
    _d = setup_inputs()
    print(jax.jit(kernel)(*tuple(_d.values())))

</pallas_src>

<mosaic_0001>
#map = affine_map<(d0, d1) -> (0, 0, 0)>
#map1 = affine_map<(d0, d1) -> (0, 0)>
module attributes {stable_mosaic.version = 14 : i64} {
  func.func @k(%arg0: i32, %arg1: i32, %arg2: memref<26x32x100000xf32, #tpu.memory_space<hbm>>, %arg3: memref<26x4096xi32, #tpu.memory_space<hbm>>, %arg4: memref<832x4096xf32, #tpu.memory_space<hbm>>, %arg5: memref<100000xf32, #tpu.memory_space<vmem>>, %arg6: memref<4096xi32, #tpu.memory_space<vmem>>, %arg7: memref<4096xf32, #tpu.memory_space<vmem>>) attributes {dimension_semantics = [#tpu.dimension_semantics<core_parallel>, #tpu.dimension_semantics<subcore_parallel>], iteration_bounds = array<i64: 2, 16>, scalar_prefetch = 0 : i64, scratch_operands = 3 : i64, tpu.core_type = #tpu.core_type<sc_vector_subcore>, window_params = [{transform_indices = #map}, {transform_indices = #map1}, {transform_indices = #map1}]} {
    %mul3A = arith.constant 2 : i32
    %mul3A_0 = arith.muli %arg1, %mul3A : i32
    %add3A = arith.addi %mul3A_0, %arg0 : i32
    %mul3A_1 = arith.constant 26 : i32
    %mul3A_2 = arith.muli %add3A, %mul3A_1 : i32
    %scan3A = arith.constant 0 : i32
    %scan3A_3 = arith.constant 26 : i32
    %scan3A_4 = arith.addi %scan3A, %scan3A_3 : i32
    %scan3A_5 = arith.constant 1 : i32
    scf.for %scan3A_7 = %scan3A to %scan3A_4 step %scan3A_5  : i32 {
      %mul3A_8 = arith.constant 1 : i32
      %mul3A_9 = arith.muli %scan3A_7, %mul3A_8 : i32
      %add3A_10 = arith.constant 0 : i32
      %add3A_11 = arith.addi %add3A_10, %mul3A_9 : i32
      %add3A_12 = arith.addi %mul3A_2, %add3A_11 : i32
      %jit3A = arith.constant 32 : i32
      %div3A = arith.divsi %add3A_12, %jit3A : i32
      %sign3A = arith.constant 0 : i32
      %sign3A_13 = arith.cmpi sgt, %add3A_12, %sign3A : i32
      %sign3A_14 = arith.extui %sign3A_13 : i1 to i32
      %sign3A_15 = arith.constant 0 : i32
      %sign3A_16 = arith.cmpi slt, %add3A_12, %sign3A_15 : i32
      %sign3A_17 = arith.extui %sign3A_16 : i1 to i32
      %sign3A_18 = arith.subi %sign3A_14, %sign3A_17 : i32
      %sign3A_19 = arith.constant 0 : i32
      %sign3A_20 = arith.cmpi sgt, %jit3A, %sign3A_19 : i32
      %sign3A_21 = arith.extui %sign3A_20 : i1 to i32
      %sign3A_22 = arith.constant 0 : i32
      %sign3A_23 = arith.cmpi slt, %jit3A, %sign3A_22 : i32
      %sign3A_24 = arith.extui %sign3A_23 : i1 to i32
      %sign3A_25 = arith.subi %sign3A_21, %sign3A_24 : i32
      %ne3A = arith.cmpi ne, %sign3A_18, %sign3A_25 : i32
      %rem3A = arith.remsi %add3A_12, %jit3A : i32
      %ne3A_26 = arith.constant 0 : i32
      %ne3A_27 = arith.cmpi ne, %rem3A, %ne3A_26 : i32
      %and3A = arith.andi %ne3A, %ne3A_27 : i1
      %sub3A = arith.constant 1 : i32
      %sub3A_28 = arith.subi %div3A, %sub3A : i32
      %select_n3A = arith.select %and3A, %sub3A_28, %div3A : i32
      %mul3A_29 = arith.constant 32 : i32
      %mul3A_30 = arith.muli %select_n3A, %mul3A_29 : i32
      %sub3A_31 = arith.subi %add3A_12, %mul3A_30 : i32
      %eq3A = arith.constant 0 : i32
      %eq3A_32 = arith.cmpi eq, %add3A_11, %eq3A : i32
      %eq3A_33 = arith.constant 0 : i32
      %eq3A_34 = arith.cmpi eq, %sub3A_31, %eq3A_33 : i32
      %or3A = arith.ori %eq3A_32, %eq3A_34 : i1
      %convert_element_type3A = arith.extui %or3A : i1 to i32
      %cond3A = arith.constant 0 : i32
      %cond3A_35 = arith.cmpi ne, %convert_element_type3A, %cond3A : i32
      scf.if %cond3A_35 {
        "tpu.region"() ({
          %run_scoped3A = tpu.sem_alloc : memref<!tpu.dma_semaphore, #tpu.memory_space<semaphore_mem>>
          %dma_start3A = arith.constant 0 : i32
          %dma_start3A_41 = tpu.memref_slice %arg3[%select_n3A, %dma_start3A] : memref<26x4096xi32, #tpu.memory_space<hbm>> -> memref<1x4096xi32, #tpu.memory_space<hbm>>
          %dma_start3A_42 = tpu.memref_squeeze %dma_start3A_41 : memref<1x4096xi32, #tpu.memory_space<hbm>> -> memref<4096xi32, #tpu.memory_space<hbm>>
          %dma_start3A_43 = arith.constant 0 : i32
          %dma_start3A_44 = tpu.memref_slice %arg3[%select_n3A, %dma_start3A_43] : memref<26x4096xi32, #tpu.memory_space<hbm>> -> memref<1x4096xi32, #tpu.memory_space<hbm>>
          %dma_start3A_45 = tpu.memref_squeeze %dma_start3A_44 : memref<1x4096xi32, #tpu.memory_space<hbm>> -> memref<4096xi32, #tpu.memory_space<hbm>>
          tpu.enqueue_dma source(%dma_start3A_45 : memref<4096xi32, #tpu.memory_space<hbm>>) target(%arg6 : memref<4096xi32, #tpu.memory_space<vmem>>) target_semaphore(%run_scoped3A : memref<!tpu.dma_semaphore, #tpu.memory_space<semaphore_mem>>)
          %dma_wait3A = arith.constant 0 : i32
          %dma_wait3A_46 = tpu.memref_slice %arg3[%select_n3A, %dma_wait3A] : memref<26x4096xi32, #tpu.memory_space<hbm>> -> memref<1x4096xi32, #tpu.memory_space<hbm>>
          %dma_wait3A_47 = tpu.memref_squeeze %dma_wait3A_46 : memref<1x4096xi32, #tpu.memory_space<hbm>> -> memref<4096xi32, #tpu.memory_space<hbm>>
          %dma_wait3A_48 = arith.constant 0 : i32
          %dma_wait3A_49 = tpu.memref_slice %arg3[%select_n3A, %dma_wait3A_48] : memref<26x4096xi32, #tpu.memory_space<hbm>> -> memref<1x4096xi32, #tpu.memory_space<hbm>>
          %dma_wait3A_50 = tpu.memref_squeeze %dma_wait3A_49 : memref<1x4096xi32, #tpu.memory_space<hbm>> -> memref<4096xi32, #tpu.memory_space<hbm>>
          tpu.wait_dma2 semaphore(%run_scoped3A : memref<!tpu.dma_semaphore, #tpu.memory_space<semaphore_mem>>) src(%dma_wait3A_50 : memref<4096xi32, #tpu.memory_space<hbm>>) dst(%arg6 : memref<4096xi32, #tpu.memory_space<vmem>>)
          tpu.yield
        }) : () -> ()
      } else {
      }
      "tpu.region"() ({
        %run_scoped3A = tpu.sem_alloc : memref<!tpu.dma_semaphore, #tpu.memory_space<semaphore_mem>>
        %dma_start3A = arith.constant 0 : i32
        %dma_start3A_41 = tpu.memref_slice %arg2[%select_n3A, %sub3A_31, %dma_start3A] : memref<26x32x100000xf32, #tpu.memory_space<hbm>> -> memref<1x1x100000xf32, #tpu.memory_space<hbm>>
        %dma_start3A_42 = tpu.memref_squeeze %dma_start3A_41 : memref<1x1x100000xf32, #tpu.memory_space<hbm>> -> memref<100000xf32, #tpu.memory_space<hbm>>
        %dma_start3A_43 = arith.constant 0 : i32
        %dma_start3A_44 = tpu.memref_slice %arg2[%select_n3A, %sub3A_31, %dma_start3A_43] : memref<26x32x100000xf32, #tpu.memory_space<hbm>> -> memref<1x1x100000xf32, #tpu.memory_space<hbm>>
        %dma_start3A_45 = tpu.memref_squeeze %dma_start3A_44 : memref<1x1x100000xf32, #tpu.memory_space<hbm>> -> memref<100000xf32, #tpu.memory_space<hbm>>
        tpu.enqueue_dma source(%dma_start3A_45 : memref<100000xf32, #tpu.memory_space<hbm>>) target(%arg5 : memref<100000xf32, #tpu.memory_space<vmem>>) target_semaphore(%run_scoped3A : memref<!tpu.dma_semaphore, #tpu.memory_space<semaphore_mem>>)
        %dma_wait3A = arith.constant 0 : i32
        %dma_wait3A_46 = tpu.memref_slice %arg2[%select_n3A, %sub3A_31, %dma_wait3A] : memref<26x32x100000xf32, #tpu.memory_space<hbm>> -> memref<1x1x100000xf32, #tpu.memory_space<hbm>>
        %dma_wait3A_47 = tpu.memref_squeeze %dma_wait3A_46 : memref<1x1x100000xf32, #tpu.memory_space<hbm>> -> memref<100000xf32, #tpu.memory_space<hbm>>
        %dma_wait3A_48 = arith.constant 0 : i32
        %dma_wait3A_49 = tpu.memref_slice %arg2[%select_n3A, %sub3A_31, %dma_wait3A_48] : memref<26x32x100000xf32, #tpu.memory_space<hbm>> -> memref<1x1x100000xf32, #tpu.memory_space<hbm>>
        %dma_wait3A_50 = tpu.memref_squeeze %dma_wait3A_49 : memref<1x1x100000xf32, #tpu.memory_space<hbm>> -> memref<100000xf32, #tpu.memory_space<hbm>>
        tpu.wait_dma2 semaphore(%run_scoped3A : memref<!tpu.dma_semaphore, #tpu.memory_space<semaphore_mem>>) src(%dma_wait3A_50 : memref<100000xf32, #tpu.memory_space<hbm>>) dst(%arg5 : memref<100000xf32, #tpu.memory_space<vmem>>)
        tpu.yield
      }) : () -> ()
      %scan3A_36 = arith.constant 0 : i32
      %scan3A_37 = arith.constant 64 : i32
      %scan3A_38 = arith.addi %scan3A_36, %scan3A_37 : i32
      %scan3A_39 = arith.constant 1 : i32
      scf.for %scan3A_41 = %scan3A_36 to %scan3A_38 step %scan3A_39  : i32 {
        %mul3A_42 = arith.constant 1 : i32
        %mul3A_43 = arith.muli %scan3A_41, %mul3A_42 : i32
        %add3A_44 = arith.constant 0 : i32
        %add3A_45 = arith.addi %add3A_44, %mul3A_43 : i32
        %mul3A_46 = arith.constant 64 : i32
        %mul3A_47 = arith.muli %add3A_45, %mul3A_46 : i32
        %add3A_48 = arith.constant 0 : i32
        %add3A_49 = arith.addi %mul3A_47, %add3A_48 : i32
        %get3A = arith.index_cast %add3A_49 : i32 to index
        %get3A_50 = tpu.vector_load %arg6[%get3A] {strides = array<i32>} : memref<4096xi32, #tpu.memory_space<vmem>>, vector<16xi32>,
        %gather3A = tpu.vector_load_idx %arg5[%get3A_50] : memref<100000xf32, #tpu.memory_space<vmem>>[vector<16xi32>], vector<16xf32>,
        %swap3A = arith.index_cast %add3A_49 : i32 to index
        %swap3A_51 = tpu.vector_load %arg7[%swap3A] {strides = array<i32>} : memref<4096xf32, #tpu.memory_space<vmem>>, vector<16xf32>,
        tpu.vector_store %arg7[%swap3A], %gather3A {strides = array<i32>} : memref<4096xf32, #tpu.memory_space<vmem>>, vector<16xf32>,
        %mul3A_52 = arith.constant 64 : i32
        %mul3A_53 = arith.muli %add3A_45, %mul3A_52 : i32
        %add3A_54 = arith.constant 16 : i32
        %add3A_55 = arith.addi %mul3A_53, %add3A_54 : i32
        %get3A_56 = arith.index_cast %add3A_55 : i32 to index
        %get3A_57 = tpu.vector_load %arg6[%get3A_56] {strides = array<i32>} : memref<4096xi32, #tpu.memory_space<vmem>>, vector<16xi32>,
        %gather3A_58 = tpu.vector_load_idx %arg5[%get3A_57] : memref<100000xf32, #tpu.memory_space<vmem>>[vector<16xi32>], vector<16xf32>,
        %swap3A_59 = arith.index_cast %add3A_55 : i32 to index
        %swap3A_60 = tpu.vector_load %arg7[%swap3A_59] {strides = array<i32>} : memref<4096xf32, #tpu.memory_space<vmem>>, vector<16xf32>,
        tpu.vector_store %arg7[%swap3A_59], %gather3A_58 {strides = array<i32>} : memref<4096xf32, #tpu.memory_space<vmem>>, vector<16xf32>,
        %mul3A_61 = arith.constant 64 : i32
        %mul3A_62 = arith.muli %add3A_45, %mul3A_61 : i32
        %add3A_63 = arith.constant 32 : i32
        %add3A_64 = arith.addi %mul3A_62, %add3A_63 : i32
        %get3A_65 = arith.index_cast %add3A_64 : i32 to index
        %get3A_66 = tpu.vector_load %arg6[%get3A_65] {strides = array<i32>} : memref<4096xi32, #tpu.memory_space<vmem>>, vector<16xi32>,
        %gather3A_67 = tpu.vector_load_idx %arg5[%get3A_66] : memref<100000xf32, #tpu.memory_space<vmem>>[vector<16xi32>], vector<16xf32>,
        %swap3A_68 = arith.index_cast %add3A_64 : i32 to index
        %swap3A_69 = tpu.vector_load %arg7[%swap3A_68] {strides = array<i32>} : memref<4096xf32, #tpu.memory_space<vmem>>, vector<16xf32>,
        tpu.vector_store %arg7[%swap3A_68], %gather3A_67 {strides = array<i32>} : memref<4096xf32, #tpu.memory_space<vmem>>, vector<16xf32>,
        %mul3A_70 = arith.constant 64 : i32
        %mul3A_71 = arith.muli %add3A_45, %mul3A_70 : i32
        %add3A_72 = arith.constant 48 : i32
        %add3A_73 = arith.addi %mul3A_71, %add3A_72 : i32
        %get3A_74 = arith.index_cast %add3A_73 : i32 to index
        %get3A_75 = tpu.vector_load %arg6[%get3A_74] {strides = array<i32>} : memref<4096xi32, #tpu.memory_space<vmem>>, vector<16xi32>,
        %gather3A_76 = tpu.vector_load_idx %arg5[%get3A_75] : memref<100000xf32, #tpu.memory_space<vmem>>[vector<16xi32>], vector<16xf32>,
        %swap3A_77 = arith.index_cast %add3A_73 : i32 to index
        %swap3A_78 = tpu.vector_load %arg7[%swap3A_77] {strides = array<i32>} : memref<4096xf32, #tpu.memory_space<vmem>>, vector<16xf32>,
        tpu.vector_store %arg7[%swap3A_77], %gather3A_76 {strides = array<i32>} : memref<4096xf32, #tpu.memory_space<vmem>>, vector<16xf32>,
      }
      %scan3A_40 = arith.constant 64 : i32
      "tpu.region"() ({
        %run_scoped3A = tpu.sem_alloc : memref<!tpu.dma_semaphore, #tpu.memory_space<semaphore_mem>>
        %dma_start3A = arith.constant 0 : i32
        %dma_start3A_41 = tpu.memref_slice %arg4[%add3A_12, %dma_start3A] : memref<832x4096xf32, #tpu.memory_space<hbm>> -> memref<1x4096xf32, #tpu.memory_space<hbm>>
        %dma_start3A_42 = tpu.memref_squeeze %dma_start3A_41 : memref<1x4096xf32, #tpu.memory_space<hbm>> -> memref<4096xf32, #tpu.memory_space<hbm>>
        %dma_start3A_43 = arith.constant 0 : i32
        %dma_start3A_44 = tpu.memref_slice %arg4[%add3A_12, %dma_start3A_43] : memref<832x4096xf32, #tpu.memory_space<hbm>> -> memref<1x4096xf32, #tpu.memory_space<hbm>>
        %dma_start3A_45 = tpu.memref_squeeze %dma_start3A_44 : memref<1x4096xf32, #tpu.memory_space<hbm>> -> memref<4096xf32, #tpu.memory_space<hbm>>
        tpu.enqueue_dma source(%arg7 : memref<4096xf32, #tpu.memory_space<vmem>>) target(%dma_start3A_45 : memref<4096xf32, #tpu.memory_space<hbm>>) target_semaphore(%run_scoped3A : memref<!tpu.dma_semaphore, #tpu.memory_space<semaphore_mem>>)
        %dma_wait3A = arith.constant 0 : i32
        %dma_wait3A_46 = tpu.memref_slice %arg4[%add3A_12, %dma_wait3A] : memref<832x4096xf32, #tpu.memory_space<hbm>> -> memref<1x4096xf32, #tpu.memory_space<hbm>>
        %dma_wait3A_47 = tpu.memref_squeeze %dma_wait3A_46 : memref<1x4096xf32, #tpu.memory_space<hbm>> -> memref<4096xf32, #tpu.memory_space<hbm>>
        %dma_wait3A_48 = arith.constant 0 : i32
        %dma_wait3A_49 = tpu.memref_slice %arg4[%add3A_12, %dma_wait3A_48] : memref<832x4096xf32, #tpu.memory_space<hbm>> -> memref<1x4096xf32, #tpu.memory_space<hbm>>
        %dma_wait3A_50 = tpu.memref_squeeze %dma_wait3A_49 : memref<1x4096xf32, #tpu.memory_space<hbm>> -> memref<4096xf32, #tpu.memory_space<hbm>>
        tpu.wait_dma2 semaphore(%run_scoped3A : memref<!tpu.dma_semaphore, #tpu.memory_space<semaphore_mem>>) src(%arg7 : memref<4096xf32, #tpu.memory_space<vmem>>) dst(%dma_wait3A_50 : memref<4096xf32, #tpu.memory_space<hbm>>)
        tpu.yield
      }) : () -> ()
    }
    %scan3A_6 = arith.constant 26 : i32
    return
  }
}

module attributes {stable_mosaic.version = 14 : i64} {
  func.func @_mlp_body(%arg0: i32, %arg1: memref<512x13xf32, #tpu.memory_space<vmem>>, %arg2: memref<832x512xf32, #tpu.memory_space<vmem>>, %arg3: memref<13x32xf32, #tpu.memory_space<vmem>>, %arg4: memref<1x32xf32, #tpu.memory_space<vmem>>, %arg5: memref<32x512xf32, #tpu.memory_space<vmem>>, %arg6: memref<832x512xf32, #tpu.memory_space<vmem>>, %arg7: memref<1x512xf32, #tpu.memory_space<vmem>>, %arg8: memref<512x256xf32, #tpu.memory_space<vmem>>, %arg9: memref<1x256xf32, #tpu.memory_space<vmem>>, %arg10: memref<256x1xf32, #tpu.memory_space<vmem>>, %arg11: memref<1x1xf32, #tpu.memory_space<vmem>>, %arg12: memref<512x1xf32, #tpu.memory_space<vmem>>) attributes {dimension_semantics = [#tpu.dimension_semantics<arbitrary>], iteration_bounds = array<i64: 8>, scalar_prefetch = 0 : i64, scratch_operands = 0 : i64, tpu.core_type = #tpu.core_type<tc>, window_params = [{transform_indices = @transform_0, window_bounds = array<i64: 512, 13>}, {transform_indices = @transform_1, window_bounds = array<i64: 832, 512>}, {pipeline_mode = #tpu.pipeline_mode<synchronous>, transform_indices = @transform_2, window_bounds = array<i64: 13, 32>}, {pipeline_mode = #tpu.pipeline_mode<synchronous>, transform_indices = @transform_3, window_bounds = array<i64: 1, 32>}, {pipeline_mode = #tpu.pipeline_mode<synchronous>, transform_indices = @transform_4, window_bounds = array<i64: 32, 512>}, {pipeline_mode = #tpu.pipeline_mode<synchronous>, transform_indices = @transform_5, window_bounds = array<i64: 832, 512>}, {pipeline_mode = #tpu.pipeline_mode<synchronous>, transform_indices = @transform_6, window_bounds = array<i64: 1, 512>}, {pipeline_mode = #tpu.pipeline_mode<synchronous>, transform_indices = @transform_7, window_bounds = array<i64: 512, 256>}, {pipeline_mode = #tpu.pipeline_mode<synchronous>, transform_indices = @transform_8, window_bounds = array<i64: 1, 256>}, {pipeline_mode = #tpu.pipeline_mode<synchronous>, transform_indices = @transform_9, window_bounds = array<i64: 256, 1>}, {pipeline_mode = #tpu.pipeline_mode<synchronous>, transform_indices = @transform_10, window_bounds = array<i64: 1, 1>}, {transform_indices = @transform_11, window_bounds = array<i64: 512, 1>}]} {
    %get3A = arith.constant 0 : index
    %get3A_0 = arith.constant 0 : index
    %get3A_1 = vector.load %arg1[%get3A, %get3A_0] : memref<512x13xf32, #tpu.memory_space<vmem>>, vector<512x13xf32>
    %get3A_2 = arith.constant 0 : index
    %get3A_3 = arith.constant 0 : index
    %get3A_4 = vector.load %arg3[%get3A_2, %get3A_3] : memref<13x32xf32, #tpu.memory_space<vmem>>, vector<13x32xf32>
    %dot_general3A = arith.constant dense<0.000000e+00> : vector<512x32xf32>
    %dot_general3A_5 = tpu.matmul %get3A_1, %get3A_4, %dot_general3A {dimension_numbers = #tpu.dot_dimension_numbers<[1], [0], [0], [1], [0, 0, 1, 1], [], []>, transpose_lhs_hint = false} : vector<512x13xf32>, vector<13x32xf32>, vector<512x32xf32> -> vector<512x32xf32>
    %get3A_6 = arith.constant 0 : index
    %get3A_7 = arith.constant 0 : index
    %get3A_8 = vector.load %arg4[%get3A_6, %get3A_7] : memref<1x32xf32, #tpu.memory_space<vmem>>, vector<1x32xf32>
    %add3A = vector.broadcast %get3A_8 : vector<1x32xf32> to vector<512x32xf32>
    %add3A_9 = arith.addf %dot_general3A_5, %add3A : vector<512x32xf32>
    %get3A_10 = arith.constant 0 : index
    %get3A_11 = arith.constant 0 : index
    %get3A_12 = vector.load %arg5[%get3A_10, %get3A_11] : memref<32x512xf32, #tpu.memory_space<vmem>>, vector<32x512xf32>
    %dot_general3A_13 = arith.constant dense<0.000000e+00> : vector<512x512xf32>
    %dot_general3A_14 = tpu.matmul %add3A_9, %get3A_12, %dot_general3A_13 {dimension_numbers = #tpu.dot_dimension_numbers<[1], [0], [0], [1], [0, 0, 1, 1], [], []>, transpose_lhs_hint = false} : vector<512x32xf32>, vector<32x512xf32>, vector<512x512xf32> -> vector<512x512xf32>
    %get3A_15 = arith.constant 0 : index
    %get3A_16 = arith.constant 0 : index
    %get3A_17 = vector.load %arg2[%get3A_15, %get3A_16] : memref<832x512xf32, #tpu.memory_space<vmem>>, vector<832x512xf32>
    %get3A_18 = arith.constant 0 : index
    %get3A_19 = arith.constant 0 : index
    %get3A_20 = vector.load %arg6[%get3A_18, %get3A_19] : memref<832x512xf32, #tpu.memory_space<vmem>>, vector<832x512xf32>
    %dot_general3A_21 = arith.constant dense<0.000000e+00> : vector<512x512xf32>
    %dot_general3A_22 = tpu.matmul %get3A_17, %get3A_20, %dot_general3A_21 {dimension_numbers = #tpu.dot_dimension_numbers<[0], [0], [1], [1], [0, 1, 1, 1], [], []>, transpose_lhs_hint = false} : vector<832x512xf32>, vector<832x512xf32>, vector<512x512xf32> -> vector<512x512xf32>
    %add3A_23 = arith.addf %dot_general3A_14, %dot_general3A_22 : vector<512x512xf32>
    %get3A_24 = arith.constant 0 : index
    %get3A_25 = arith.constant 0 : index
    %get3A_26 = vector.load %arg7[%get3A_24, %get3A_25] : memref<1x512xf32, #tpu.memory_space<vmem>>, vector<1x512xf32>
    %add3A_27 = vector.broadcast %get3A_26 : vector<1x512xf32> to vector<512x512xf32>
    %add3A_28 = arith.addf %add3A_23, %add3A_27 : vector<512x512xf32>
    %max3A = arith.constant 0.000000e+00 : f32
    %max3A_29 = vector.broadcast %max3A : f32 to vector<512x512xf32>
    %max3A_30 = arith.maximumf %add3A_28, %max3A_29 : vector<512x512xf32>
    %get3A_31 = arith.constant 0 : index
    %get3A_32 = arith.constant 0 : index
    %get3A_33 = vector.load %arg8[%get3A_31, %get3A_32] : memref<512x256xf32, #tpu.memory_space<vmem>>, vector<512x256xf32>
    %dot_general3A_34 = arith.constant dense<0.000000e+00> : vector<512x256xf32>
    %dot_general3A_35 = tpu.matmul %max3A_30, %get3A_33, %dot_general3A_34 {dimension_numbers = #tpu.dot_dimension_numbers<[1], [0], [0], [1], [0, 0, 1, 1], [], []>, transpose_lhs_hint = false} : vector<512x512xf32>, vector<512x256xf32>, vector<512x256xf32> -> vector<512x256xf32>
    %get3A_36 = arith.constant 0 : index
    %get3A_37 = arith.constant 0 : index
    %get3A_38 = vector.load %arg9[%get3A_36, %get3A_37] : memref<1x256xf32, #tpu.memory_space<vmem>>, vector<1x256xf32>
    %add3A_39 = vector.broadcast %get3A_38 : vector<1x256xf32> to vector<512x256xf32>
    %add3A_40 = arith.addf %dot_general3A_35, %add3A_39 : vector<512x256xf32>
    %max3A_41 = arith.constant 0.000000e+00 : f32
    %max3A_42 = vector.broadcast %max3A_41 : f32 to vector<512x256xf32>
    %max3A_43 = arith.maximumf %add3A_40, %max3A_42 : vector<512x256xf32>
    %get3A_44 = arith.constant 0 : index
    %get3A_45 = arith.constant 0 : index
    %get3A_46 = vector.load %arg10[%get3A_44, %get3A_45] : memref<256x1xf32, #tpu.memory_space<vmem>>, vector<256x1xf32>
    %dot_general3A_47 = arith.constant dense<0.000000e+00> : vector<512x1xf32>
    %dot_general3A_48 = tpu.matmul %max3A_43, %get3A_46, %dot_general3A_47 {dimension_numbers = #tpu.dot_dimension_numbers<[1], [0], [0], [1], [0, 0, 1, 1], [], []>, transpose_lhs_hint = false} : vector<512x256xf32>, vector<256x1xf32>, vector<512x1xf32> -> vector<512x1xf32>
    %get3A_49 = arith.constant 0 : index
    %get3A_50 = arith.constant 0 : index
    %get3A_51 = vector.load %arg11[%get3A_49, %get3A_50] : memref<1x1xf32, #tpu.memory_space<vmem>>, vector<1x1xf32>
    %add3A_52 = vector.broadcast %get3A_51 : vector<1x1xf32> to vector<512x1xf32>
    %add3A_53 = arith.addf %dot_general3A_48, %add3A_52 : vector<512x1xf32>
    %logistic3A = arith.negf %add3A_53 : vector<512x1xf32>
    %logistic3A_54 = math.exp %logistic3A : vector<512x1xf32>
    %logistic3A_55 = arith.constant 1.000000e+00 : f32
    %logistic3A_56 = vector.broadcast %logistic3A_55 : f32 to vector<512x1xf32>
    %logistic3A_57 = arith.addf %logistic3A_56, %logistic3A_54 : vector<512x1xf32>
    %logistic3A_58 = arith.divf %logistic3A_56, %logistic3A_57 : vector<512x1xf32>
    %swap3A = arith.constant 0 : index
    %swap3A_59 = arith.constant 0 : index
    %swap3A_60 = vector.load %arg12[%swap3A, %swap3A_59] : memref<512x1xf32, #tpu.memory_space<vmem>>, vector<512x1xf32>
    tpu.vector_store %arg12[%swap3A, %swap3A_59], %logistic3A_58 {strides = array<i32>} : memref<512x1xf32, #tpu.memory_space<vmem>>, vector<512x1xf32>,
    return
  }
  func.func @transform_0(%arg0: i32) -> (i32, i32) {
    %c0_i32 = arith.constant 0 : i32
    %c0_i32_0 = arith.constant 0 : i32
    return %arg0, %c0_i32 : i32, i32
  }
  func.func @transform_1(%arg0: i32) -> (i32, i32) {
    %c0_i32 = arith.constant 0 : i32
    %c0_i32_0 = arith.constant 0 : i32
    return %c0_i32, %arg0 : i32, i32
  }
  func.func @transform_2(%arg0: i32) -> (i32, i32) {
    %c0_i32 = arith.constant 0 : i32
    %c0_i32_0 = arith.constant 0 : i32
    %c0_i32_1 = arith.constant 0 : i32
    return %c0_i32, %c0_i32_0 : i32, i32
  }
  func.func @transform_3(%arg0: i32) -> (i32, i32) {
    %c0_i32 = arith.constant 0 : i32
    %c0_i32_0 = arith.constant 0 : i32
    %c0_i32_1 = arith.constant 0 : i32
    return %c0_i32, %c0_i32_0 : i32, i32
  }
  func.func @transform_4(%arg0: i32) -> (i32, i32) {
    %c0_i32 = arith.constant 0 : i32
    %c0_i32_0 = arith.constant 0 : i32
    %c0_i32_1 = arith.constant 0 : i32
    return %c0_i32, %c0_i32_0 : i32, i32
  }
  func.func @transform_5(%arg0: i32) -> (i32, i32) {
    %c0_i32 = arith.constant 0 : i32
    %c0_i32_0 = arith.constant 0 : i32
    %c0_i32_1 = arith.constant 0 : i32
    return %c0_i32, %c0_i32_0 : i32, i32
  }
  func.func @transform_6(%arg0: i32) -> (i32, i32) {
    %c0_i32 = arith.constant 0 : i32
    %c0_i32_0 = arith.constant 0 : i32
    %c0_i32_1 = arith.constant 0 : i32
    return %c0_i32, %c0_i32_0 : i32, i32
  }
  func.func @transform_7(%arg0: i32) -> (i32, i32) {
    %c0_i32 = arith.constant 0 : i32
    %c0_i32_0 = arith.constant 0 : i32
    %c0_i32_1 = arith.constant 0 : i32
    return %c0_i32, %c0_i32_0 : i32, i32
  }
  func.func @transform_8(%arg0: i32) -> (i32, i32) {
    %c0_i32 = arith.constant 0 : i32
    %c0_i32_0 = arith.constant 0 : i32
    %c0_i32_1 = arith.constant 0 : i32
    return %c0_i32, %c0_i32_0 : i32, i32
  }
  func.func @transform_9(%arg0: i32) -> (i32, i32) {
    %c0_i32 = arith.constant 0 : i32
    %c0_i32_0 = arith.constant 0 : i32
    %c0_i32_1 = arith.constant 0 : i32
    return %c0_i32, %c0_i32_0 : i32, i32
  }
  func.func @transform_10(%arg0: i32) -> (i32, i32) {
    %c0_i32 = arith.constant 0 : i32
    %c0_i32_0 = arith.constant 0 : i32
    %c0_i32_1 = arith.constant 0 : i32
    return %c0_i32, %c0_i32_0 : i32, i32
  }
  func.func @transform_11(%arg0: i32) -> (i32, i32) {
    %c0_i32 = arith.constant 0 : i32
    %c0_i32_0 = arith.constant 0 : i32
    return %arg0, %c0_i32 : i32, i32
  }
}

</mosaic_0001>

<sc_bundles>
// kernel: kernel.4.cloned.1.call-start
scs
__scs_entry_jumppad:
0x0: {  	(pc) =	sbr.rel $0x88, $3  }
0x1: {  	(tag) =	ssettag $0x0;
	lr =	simm.s32 $0x1  }
0x2: {  	[smem:$0x3F96] =	sst lr;
	_ =	strace $0xD0000000  }
0x3: {  	_ = 	snop  }
0x4: {  	_ = 	snop  }
0x5: {  	_ = 	snop  }
0x6: {  	_ = 	snop  }
0x7: {  	_ = 	snop  }
__scs_overlays_trampoline_lowered:
0x8: {  	[smem:$0x3FA5] =	sst s0  }
0x9: {  	[smem:$0x3FA6] =	sst s1  }
0xa: {  	[smem:$0x3FA7] =	sst s2  }
0xb: {  	[smem:$0x3FA8] =	sst s3  }
0xc: {  	[smem:$0x3FA9] =	sst s4  }
0xd: {  	[smem:$0x3FAA] =	sst s5  }
0xe: {  	[smem:$0x3FAB] =	sst s6  }
0xf: {  	[smem:$0x3FAC] =	sst s7  }
0x10: {  	[smem:$0x3FAD] =	sst s8  }
0x11: {  	[smem:$0x3FAE] =	sst s9;
	s0 =	simm.s32 @!p0 $0x0  }
0x12: {  	s1 =	sld [smem:$0x3F94];
	s0 =	simm.s32 @p0 $0x1  }
0x13: {  	[smem:$0x3FAF] =	sst s0;
	s0 =	simm.s32 @!p1 $0x0  }
0x14: {  	s2 =	sld [smem:$0x3F93];
	s0 =	simm.s32 @p1 $0x1  }
0x15: {  	[smem:$0x3FB0] =	sst s0;
	s0 =	simm.s32 @!p2 $0x0  }
0x16: {  	s3 =	sld [smem:$0x3FDB];
	s0 =	simm.s32 @p2 $0x1  }
0x17: {  	s4 =	simm.s32 $0x1BF5;
	[smem:$0x3FB2] =	sst s0  }
0x18: {  	s0 =	sld [smem:$0x3F95];
	_ =	swait.ge [sflag:s4], $0x0  }
0x19: {  	s7 =	sld [smem:$0x3F96]  }
0x1a: {  	s8 =	sadd.s32 $0xFFFFE003, lr  }
0x1b: {  	s9 =	sadd.s32 $0xFFFFFEF7, lr;
	s5 =	simm.s32 $0xFFFFFFFF;
	p2 =	slt.u32 s8, $0xFFFFF086  }
0x1c: {  	p1 =	slt.u32 s9, $0xF7A;
	s5 =	simm.s32 @!p2 $0x0  }
0x1d: {  	s5 =	simm.s32 @p1 $0x1;
	p0 =	seq.s32 s7, s2  }
0x1e: {  	s7 =	smul.u32 @!p0 $0xF7A, s2;
	p2 =	seq.s32 @!p0 s5, $0x0  }
0x1f: {  	s9 =	smul.u32 $0xF7A, s1;
	s8 =	simm.s32 @!p0 $0x1BF5;
	p2 =	por !p2, p0  }
0x20: {  	[sflag:s8] =	ssyncset.s32 @!p0 $0xFFFFF086;
	s6 =	sadd.s32 @!p0 s3, s7;
	s7 =	simm.s32 @!p0 $0x108  }
0x21: {  	s3 =	sadd.s32 s3, s9;
	s6 =	sadd.s32 @!p0 $0x88, s6;
	s7 =	simm.s32 @p2 $0x1082  }
0x22: {  	[simem:s7], [sflag:s8] =	dma.local @!p0 [hbm:s6], $0xF7A  }
0x23: {  	s9 =	sor.u32 $0xD0000000, s2;
	s6 =	simm.s32 $0x108;
	_ =	swait.ge @!p0 [sflag:s8], $0x0  }
0x24: {  	s3 =	sadd.s32 $0x88, s3;
	s6 =	simm.s32 @!p1 $0x1082;
	[sflag:s4] =	ssyncset.s32 $0xFFFFF086  }
0x25: {  	[simem:s6], [sflag:s4] =	dma.local [hbm:s3], $0xF7A  }
0x26: {  	[smem:$0x3F96] =	sst s1;
	(tag) =	ssettag s2;
	_ =	strace s9  }
0x27: {  	s1 =	sld [smem:$0x3FA6]  }
0x28: {  	s2 =	sld [smem:$0x3FA7]  }
0x29: {  	s4 =	sld [smem:$0x3FA9]  }
0x2a: {  	p0 =	seq.s32 s5, $0x0;
	s5 =	sld [smem:$0x3FAA]  }
0x2b: {  	s6 =	sld [smem:$0x3FAB]  }
0x2c: {  	s7 =	sld [smem:$0x3FAC]  }
0x2d: {  	s3 =	simm.s32 $0x108;
	s8 =	sld [smem:$0x3FAD]  }
0x2e: {  	s3 =	simm.s32 @!p0 $0x1082;
	s9 =	sld [smem:$0x3FAE]  }
0x2f: {  	lr =	sadd.s32 s0, s3;
	s0 =	sld [smem:$0x3FA5]  }
0x30: {  	s3 =	sld [smem:$0x3FA8]  }
0x31: {  	[smem:$0x3FB1] =	sst s10  }
0x32: {  	s10 =	sld [smem:$0x3FAF];
	_ =	sdelay $0x3  }
0x33: {  	p0 =	seq.s32 s10, $0x1;
	s10 =	sld [smem:$0x3FB1];
	_ =	sdelay $0x3  }
0x34: {  	[smem:$0x3FB1] =	sst s10  }
0x35: {  	s10 =	sld [smem:$0x3FB0];
	_ =	sdelay $0x3  }
0x36: {  	p1 =	seq.s32 s10, $0x1;
	s10 =	sld [smem:$0x3FB1];
	_ =	sdelay $0x3  }
0x37: {  	[smem:$0x3FB1] =	sst s10  }
0x38: {  	s10 =	sld [smem:$0x3FB2]  }
0x39: {  	_ = 	snop;
	(pc) =	sbr.ind lr, $3  }
0x3a: {  	_ = 	snop  }
0x3b: {  	_ = 	snop  }
0x3c: {  	p2 =	seq.s32 s10, $0x1;
	s10 =	sld [smem:$0x3FB1]  }
0x3d: {  	_ =	shalt  }
0x3e: {  	_ =	shalt  }
0x3f: {  	_ =	shalt  }
0x40: {  	_ =	shalt  }
0x41: {  	_ =	shalt  }
0x42: {  	_ =	shalt  }
0x43: {  	_ =	shalt  }
0x44: {  	_ =	shalt  }
0x45: {  	_ =	shalt  }
0x46: {  	_ =	shalt  }
0x47: {  	_ =	shalt  }
0x48: {  	_ =	shalt  }
0x49: {  	_ =	shalt  }
0x4a: {  	_ =	shalt  }
0x4b: {  	_ =	shalt  }
0x4c: {  	_ =	shalt  }
0x4d: {  	_ =	shalt  }
0x4e: {  	_ =	shalt  }
0x4f: {  	_ =	shalt  }
0x50: {  	_ =	shalt  }
0x51: {  	_ =	shalt  }
0x52: {  	_ =	shalt  }
0x53: {  	_ =	shalt  }
0x54: {  	_ =	shalt  }
0x55: {  	_ =	shalt  }
0x56: {  	_ =	shalt  }
0x57: {  	_ =	shalt  }
0x58: {  	_ =	shalt  }
0x59: {  	_ =	shalt  }
0x5a: {  	_ =	shalt  }
0x5b: {  	_ =	shalt  }
0x5c: {  	_ =	shalt  }
0x5d: {  	_ =	shalt  }
0x5e: {  	_ =	shalt  }
0x5f: {  	_ =	shalt  }
0x60: {  	_ =	shalt  }
0x61: {  	_ =	shalt  }
0x62: {  	_ =	shalt  }
0x63: {  	_ =	shalt  }
0x64: {  	_ =	shalt  }
0x65: {  	_ =	shalt  }
0x66: {  	_ =	shalt  }
0x67: {  	_ =	shalt  }
0x68: {  	_ =	shalt  }
0x69: {  	_ =	shalt  }
0x6a: {  	_ =	shalt  }
0x6b: {  	_ =	shalt  }
0x6c: {  	_ =	shalt  }
0x6d: {  	_ =	shalt  }
0x6e: {  	_ =	shalt  }
0x6f: {  	_ =	shalt  }
0x70: {  	_ =	shalt  }
0x71: {  	_ =	shalt  }
0x72: {  	_ =	shalt  }
0x73: {  	_ =	shalt  }
0x74: {  	_ =	shalt  }
0x75: {  	_ =	shalt  }
0x76: {  	_ =	shalt  }
0x77: {  	_ =	shalt  }
0x78: {  	_ =	shalt  }
0x79: {  	_ =	shalt  }
0x7a: {  	_ =	shalt  }
0x7b: {  	_ =	shalt  }
0x7c: {  	_ =	shalt  }
0x7d: {  	_ =	shalt  }
0x7e: {  	_ =	shalt  }
0x7f: {  	_ =	shalt  }
0x80: {  	_ =	shalt  }
0x81: {  	_ =	shalt  }
0x82: {  	_ =	shalt  }
0x83: {  	_ =	shalt  }
0x84: {  	_ =	shalt  }
0x85: {  	_ =	shalt  }
0x86: {  	_ =	shalt  }
0x87: {  	_ =	shalt  }
.Lfunc_end0:
.L_simem_size_0:
called_computation_lowered:
.L_overlay_start_0:
0x88: {  	s2 =	sld [smem:$0x3FD9]  }
0x89: {  	s3 =	sld [smem:$0x3FFE];
	_ =	sdelay $0x1  }
0x8a: {  	s1 =	srdreg.scid  }
0x8b: {  	s0 =	sand.u32 $0x1, s1  }
0x8c: {  	s17 =	sshll.u32 s0, $0xA;
	s2 =	sadd.s32 s3, s2  }
0x8d: {  	s2 =	sadd.s32 s2, s17  }
0x8e: {  	[smem:$0x3FBD] =	sst s2  }
0x8f: {  	_ = 	snop  }
0x90: {  	s2 =	sld [smem:$0x3FC8]  }
0x91: {  	s18 =	sld [smem:$0x3FC7];
	(tm) =	ssettm $0x1  }
0x92: {  	s4 =	sld [smem:$0x3FFB];
	_ =	sdelay $0x3  }
0x93: {  	_ =	strace s4  }
0x94: {  	s4 =	sld [smem:$0x3FFC];
	_ =	sdelay $0x3  }
0x95: {  	_ =	strace s4  }
0x96: {  	s4 =	sld [smem:$0x3FFD];
	_ =	sdelay $0x3  }
0x97: {  	_ =	strace s4  }
0x98: {  	_ =	strace $0x8FFFFFFF  }
0x99: {  	s19 =	sld [smem:$0x3FDB];
	_ =	sdelay $0x1  }
0x9a: {  	s5 =	simm.s32 $_scs_section_size  }
0x9b: {  	s6 =	simm.s32 $_size__tile_overlayer_lowered;
	s7 =	simm.s32 $_tile_overlayer_lowered  }
0x9c: {  	s22 =	simm.s32 $0x1BFF;
	s21 =	sshll.u32 s7, $0x1;
	s4 =	sadd.s32 s5, s19  }
0x9d: {  	s8 =	simm.s32 $0x0;
	s20 =	sshll.u32 s6, $0x1;
	s6 =	sadd.s32 s21, s4  }
0x9e: {  	[timem:s8], [sflag:s22] =	dma.local [hbm:s6], s20  }
0x9f: {  	_ =	swait.ge [sflag:s22], s20  }
0xa0: {  	s5 =	ssub.s32 $0x0, s20;
	[sflag:s22] =	ssyncset.done $0x0  }
0xa1: {  	[sflag:s22] =	ssyncadd.s32 s5;
	_ =	sdelay $0x1  }
0xa2: {  	s23 =	simm.s32 $0x1B8B  }
0xa3: {  	_ =	swait.ge [sflag:s23], $0x1  }
0xa4: {  	[sflag:s23] =	ssyncset.done $0x0  }
0xa5: {  	s25 =	simm.s32 $0x1B8E;
	s24 =	sld [smem:$0x3FFE];
	[sflag:s23] =	ssyncadd.s32 $0xFFFFFFFF  }
0xa6: {  	s26 =	simm.s32 $execute0_lowered;
	[smem:$0x3FD2] =	sst s25  }
0xa7: {  	s6 =	sshll.u32 s26, $0x1;
	_ =	strace $0x80000046;
	[dreg:$0x1] =	wrdreg $0xFFFFFFFF  }
0xa8: {  	s28 =	simm.s32 $_size_execute0_lowered;
	s4 =	sadd.s32 s4, s6;
	[dreg:$0x0] =	wrdreg $0x0  }
0xa9: {  	s6 =	sshll.u32 s28, $0x1;
	[dreg:$0x2] =	wrdreg s4  }
0xaa: {  	[dreg:$0x3] =	wrdreg s6  }
0xab: {  	[dreg:$0x4] =	wrdreg $0xC0  }
0xac: {  	_ =	task [dreg:s8], $0x5FFFF  }
0xad: {  	[dreg:$0x1] =	wrdreg $0xFFFFFFFF  }
0xae: {  	[dreg:$0x0] =	wrdreg $0x60  }
0xaf: {  	[dreg:$0x2] =	wrdreg s18  }
0xb0: {  	[dreg:$0x3] =	wrdreg s2  }
0xb1: {  	[dreg:$0x4] =	wrdreg s24  }
0xb2: {  	[dreg:$0x5] =	wrdreg $0x9  }
0xb3: {  	_ =	task.clear_ibuf [dreg:s8], $0x6FFFF;
	_ =	strace $0x90000046  }
0xb4: {  	s29 =	simm.s32 $0x9;
	_ =	strace $0x80000048  }
0xb5: {  	_ =	swait.ge [sflag:s29], $0x1  }
0xb6: {  	[sflag:s29] =	ssyncadd.s32 $0xFFFFFFFF  }
0xb7: {  	_ =	strace $0x90000048  }
0xb8: {  	_ =	sfence  }
0xb9: {  	s30 =	sld [smem:$0x0];
	_ =	sdelay $0x2  }
0xba: {  	s31 =	sshll.u32 s1, $0xD;
	s1 =	sshrl.u32 s1, $0x2  }
0xbb: {  	s3 =	sand.u32 $0x4000, s31;
	s1 =	sadd.s32 s1, s30  }
0xbc: {  	s0 =	sor.u32 s3, s0;
	s1 =	sshll.u32 s1, $0x11  }
0xbd: {  	s0 =	sor.u32 s1, s0  }
0xbe: {  	s0 =	sadd.s32 $0x8F2B, s0  }
0xbf: {  	[sflag:s0] =	ssyncadd.remote.s32 $0x1  }
0xc0: {  	_ =	sfence.sel $0xFFFF  }
0xc1: {  	[dreg:$0x0] =	wrdreg $0xFFFFFFFF;
	(pc) =	sbr.abs _section_cstart, $3  }
0xc2: {  	[dreg:$0x1] =	wrdreg $0xFFFFFFFF  }
0xc3: {  	_ =	task.clear_ibuf [dreg:s8], $0x2FFFF;
	_ =	strace $0x9FFFFFFF  }
0xc4: {  	(tm) =	ssettm $0x7FFFFFFF  }
0xc5: {  	_ =	shalt  }
tec
execute0_lowered:
.L_overlay_start_1:
0x0: {  	(tag) =	ssettag $0x1  }
0x1: {  	s1 =	rddreg [dreg:$0x0]  }
0x2: {  	s2 =	rddreg [dreg:$0x1]  }
0x3: {  	s5 =	rddreg [dreg:$0x2]  }
0x4: {  	s3 =	srdreg.scid;
	s0 =	rddreg [dreg:$0x3];
	s4 =	simm.s32 $0x0  }
0x5: {  	s10 =	simm.s32 $0x18700;
	s11 =	simm.s32 $0x1;
	s12 =	simm.s32 $0x19700  }
0x6: {  	s13 =	simm.s32 $0x0;
	s6 =	sand.u32 $0x1, s3;
	s3 =	stileid.u32  }
0x7: {  	[smem:$0x7FF] =	sst s4;
	s5 =	sadd.s32 $0x1600, s5;
	s7 =	ssub.s32 $0x2, s6  }
0x8: {  	s9 =	sshll.u32 s3, $0x1;
	_ =	strace $0x80000047;
	s8 =	sshrl.u32 s7, $0x1  }
0x9: {  	s6 =	sor.u32 s6, s9;
	s9 =	simm.s32 $0x400;
	s7 =	ssub.s32 s7, s8  }
0xa: {  	s6 =	smul.u32 $0x1A, s6;
	s8 =	simm.s32 $0x80;
	s7 =	smax.u32 s7, $0x1  }
.LBB2_1:
0xb: {  	s14 =	simm.s32 $0x0  }
.LBB2_2:
0xc: {  	s15 =	sadd.s32 s6, s14  }
0xd: {  	p0 =	seq.s32 s14, $0x0;
	s16 =	sand.u32 $0x1F, s15  }
0xe: {  	p1 =	sne.s32 @!p0 s16, $0x0  }
0xf: {  	s16 =	sshrl.u32 s15, $0x5;
	p0 =	por p0, !p1  }
0x10: {  	s17 =	sshll.u32 @p0 s16, $0x4  }
0x11: {  	s18 =	sshll.u32 @p0 s16, $0x9;
	s17 =	sand.u32 @p0 $0x70, s17  }
0x12: {  	s18 =	sand.u32 @p0 $0xFFFF000, s18;
	s17 =	sadd.s32 @p0 s2, s17  }
0x13: {  	s28 =	sshrl.u32 s15, $0x3;
	s17 =	sadd.s32 @p0 s18, s17  }
0x14: {  	[tilespmem:s10], [sflag:$0x1] =	stream.strided.gather @p0 [hbm4b:s17+s8], $0x1000, s9, s8, $0x38;
	[tilespmem:$0x1A700] =	vst v63  }
0x15: {  	s16 =	smul.u32 $0x30E000, s16;
	s17 =	sand.u32 $0x3, s28  }
0x16: {  	s17 =	smul.u32 $0xC3800, s17  }
0x17: {  	s29 =	sshll.u32 s15, $0x7  }
0x18: {  	s30 =	sand.u32 $0x380, s29;
	s16 =	sadd.s32 s16, s17  }
0x19: {  	_ =	swait.ge @p0 [sflag:s11], $0x1000;
	s16 =	sor.u32 s30, s16  }
0x1a: {  	[sflag:s11] =	ssyncset.done @p0 $0x0;
	s16 =	sshrl.u32 s16, $0x3  }
0x1b: {  	s31 =	simm.s32 $0x0;
	[sflag:s11] =	ssyncadd.s32 @p0 $0xFFFFF000;
	s16 =	sadd.s32 s1, s16  }
0x1c: {  	[tilespmem:s31], [sflag:$0x1] =	stream.strided.gather [hbm4b:s16+s8], $0x18700, s9, s8, $0x38;
	[tilespmem:$0x1A700] =	vst v63  }
0x1d: {  	_ =	swait.ge [sflag:s11], $0x18700  }
0x1e: {  	[sflag:s11] =	ssyncset.done $0x0  }
0x1f: {  	s16 =	simm.s32 $0x0;
	[sflag:s11] =	ssyncadd.s32 $0xFFFE7900  }
0x20: {  	v0 =	vld [tilespmem:s16+$0x18700];
	_ =	sdelay $0x5  }
0x21: {  	v1 =	vld [tilespmem:s16+$0x18710];
	_ =	sdelay $0x1  }
0x22: {  	v0 =	vld.idx.msk [tilespmem:v0+s4+$0x0], $0xffff;
	_ =	sdelay $0x4  }
0x23: {  	v2 =	vld [tilespmem:s16+$0x18720];
	[tilespmem:s16+$0x19700] =	vst v0  }
0x24: {  	v0 =	vld.idx.msk [tilespmem:v1+s4+$0x0], $0xffff;
	_ =	sdelay $0x4  }
0x25: {  	[tilespmem:s16+$0x19710] =	vst v0;
	v0 =	vld [tilespmem:s16+$0x18730];
	_ =	sdelay $0x1  }
0x26: {  	v1 =	vld.idx.msk [tilespmem:v2+s4+$0x0], $0xffff;
	_ =	sdelay $0x3  }
0x27: {  	s18 =	simm.s32 $0x40;
	s17 =	simm.s32 $0x200  }
.LBB2_3:
0x28: {  	p0 =	sne.s32 s17, $0x3F00;
	v2 =	vld [tilespmem:s18+$0x18700];
	[tilespmem:s16+$0x19720] =	vst v1  }
0x29: {  	v0 =	vld.idx.msk [tilespmem:v0+s4+$0x0], $0xffff;
	_ =	sdelay $0x5  }
0x2a: {  	v1 =	vld [tilespmem:s18+$0x18710];
	[tilespmem:s16+$0x19730] =	vst v0;
	s16 =	smov.u32 s18  }
0x2b: {  	v0 =	vld.idx.msk [tilespmem:v2+s4+$0x0], $0xffff;
	_ =	sdelay $0x5  }
0x2c: {  	[tilespmem:s16+$0x19700] =	vst v0;
	v2 =	vld [tilespmem:s16+$0x18720]  }
0x2d: {  	v0 =	vld.idx.msk [tilespmem:v1+s4+$0x0], $0xffff;
	_ =	sdelay $0x5  }
0x2e: {  	[tilespmem:s16+$0x19710] =	vst v0;
	v0 =	vld [tilespmem:s16+$0x18730]  }
0x2f: {  	v1 =	vld.idx.msk [tilespmem:v2+s4+$0x0], $0xffff  }
.Ltmp0:
0x30: {  	(pc) =	sbr.rel @p0 .LBB2_3-.Ltmp0, $2  }
0x31: {  	_ =	sdelay $0x2  }
0x32: {  	s18 =	sshra.s32 s17, $0x2;
	s17 =	sadd.s32 $0x100, s17  }
0x33: {  	_ =	sdelay $0x1  }
0x34: {  	v2 =	vld [tilespmem:s18+$0x18700]  }
0x35: {  	[tilespmem:s16+$0x19720] =	vst v1  }
0x36: {  	v0 =	vld.idx.msk [tilespmem:v0+s4+$0x0], $0xffff;
	_ =	sdelay $0x3  }
0x37: {  	v1 =	vld [tilespmem:s18+$0x18710]  }
0x38: {  	[tilespmem:s16+$0x19730] =	vst v0  }
0x39: {  	v0 =	vld.idx.msk [tilespmem:v2+s4+$0x0], $0xffff;
	_ =	sdelay $0x3  }
0x3a: {  	v62 =	vld [tilespmem:s18+$0x18720]  }
0x3b: {  	[tilespmem:s18+$0x19700] =	vst v0  }
0x3c: {  	v1 =	vld.idx.msk [tilespmem:v1+s4+$0x0], $0xffff;
	_ =	sdelay $0x3  }
0x3d: {  	v63 =	vld [tilespmem:s18+$0x18730]  }
0x3e: {  	[tilespmem:s18+$0x19710] =	vst v1  }
0x3f: {  	v0 =	vld.idx.msk [tilespmem:v62+s4+$0x0], $0xffff;
	_ =	sdelay $0x4  }
0x40: {  	[tilespmem:s18+$0x19720] =	vst v0  }
0x41: {  	v0 =	vld.idx.msk [tilespmem:v63+s4+$0x0], $0xffff;
	_ =	sdelay $0x1  }
0x42: {  	s30 =	sshll.u32 s15, $0x4  }
0x43: {  	s31 =	sshll.u32 s15, $0x9;
	s14 =	sadd.s32 $0x1, s14;
	s16 =	sand.u32 $0x70, s30  }
0x44: {  	s15 =	sand.u32 $0xFFFF000, s31;
	p0 =	sne.s32 s14, $0x1A;
	s16 =	sadd.s32 s5, s16  }
.Ltmp1:
0x45: {  	s15 =	sadd.s32 s15, s16;
	[tilespmem:s18+$0x19730] =	vst v0;
	(pc) =	sbr.rel @p0 .LBB2_2-.Ltmp1, $4  }
0x46: {  	[hbm4b:s15+s8] =	stream.strided.scatter [tilespmem:s12], [sflag:$0x1], $0x1000, s9, s8, $0x38;
	[tilespmem:$0x1A700] =	vst v63  }
0x47: {  	_ =	swait.ge [sflag:s11], $0x1000  }
0x48: {  	[sflag:s11] =	ssyncset.done $0x0  }
0x49: {  	[sflag:s11] =	ssyncadd.s32 $0xFFFFF000  }
0x4a: {  	s13 =	sadd.s32 $0x1, s13  }
0x4b: {  	p0 =	sne.s32 s13, s7  }
.Ltmp2:
0x4c: {  	_ = 	snop;
	(pc) =	sbr.rel @p0 .LBB2_1-.Ltmp2, $1  }
0x4d: {  	_ =	sdelay $0x3  }
0x4e: {  	_ =	sfence.sel $0x180000  }
0x4f: {  	[bflag:$0x0] =	sbarrier.arrive $0xFFFF  }
0x50: {  	p0 =	sne.s32 s3, $0x0;
	_ =	strace $0x90000047  }
0x51: {  	s0 =	sadd.s32 @!p0 $0x100000, s0;
	[bflag:$0x2] =	sbarrier.arrive $0xFFFF  }
0x52: {  	[sflag:s0] =	ssyncadd.tile.s32 @!p0 $0x1;
	_ =	shalt  }
.Lfunc_end2:
_tile_overlayer_lowered:
.L_overlay_start_2:
0x53: {  	(tag) =	ssettag $0x2  }
0x54: {  	s0 =	rddreg [dreg:$0x0];
	s2 =	stileid.u32  }
0x55: {  	s1 =	rddreg [dreg:$0x1];
	p0 =	sne.s32 s2, $0x0  }
0x56: {  	s3 =	rddreg [dreg:$0x2];
	[bflag:$0x3] =	sbarrier.arrive $0xFFFF;
	s2 =	simm.s32 @!p0 $0x1C01  }
0x57: {  	[timem:s3], [sflag:s2] =	dma.local @!p0 [hbm:s0], s1  }
0x58: {  	s0 =	simm.s32 @!p0 $0x1  }
0x59: {  	_ =	swait.ge @!p0 [sflag:s0], s1  }
0x5a: {  	s1 =	ssub.s32 @!p0 $0x0, s1;
	[sflag:s0] =	ssyncset.done @!p0 $0x0  }
0x5b: {  	[sflag:s0] =	ssyncadd.s32 @!p0 s1  }
0x5c: {  	[bflag:$0x3] =	sbarrier.arrive $0xFFFF  }
0x5d: {  	_ =	shalt  }

</sc_bundles>
